<compile_context>
chip_gen: v7x
topology: tpu7x:2x2x1
jax: 0.10.2.dev20260603
libtpu: 0.0.44.dev20260713+nightly
codegen_flags: <defaults>
</compile_context>

<pallas_src>
import functools

import jax
import jax.numpy as jnp
from jax import lax
from jax.experimental import pallas as pl
from jax.experimental.pallas import tpu as pltpu
from jax.experimental.pallas import tpu_sc as plsc

NUM_CORES = 2
NUM_SUBCORES = 16
NW = NUM_CORES * NUM_SUBCORES
CHUNK = 128
KB = 5
P = 40


@functools.partial(jax.jit, static_argnums=(3, 4))
def _segsum(h, src, dst, n_pad, cpt):
  d = h.shape[1]
  rows_per_tile = n_pad // NUM_SUBCORES
  assert rows_per_tile == KB * CHUNK

  mesh = plsc.VectorSubcoreMesh(
      core_axis_name="c", subcore_axis_name="s",
      num_cores=NUM_CORES, num_subcores=NUM_SUBCORES)

  @functools.partial(
      pl.kernel,
      out_type=jax.ShapeDtypeStruct((NUM_CORES, n_pad, d), jnp.float32),
      mesh=mesh,
      scratch_types=[
          pltpu.VMEM((P, CHUNK), jnp.int32),
          pltpu.VMEM((P, CHUNK), jnp.int32),
          pltpu.VMEM((CHUNK, d), jnp.float32),
          pltpu.VMEM((CHUNK, d), jnp.float32),
          pltpu.VMEM_SHARED((n_pad, d), jnp.float32),
          pltpu.SemaphoreType.DMA,
      ],
  )
  def seg(h_hbm, src_hbm, dst_hbm, out_hbm, src_v, dst_v, msgs, msgs1, agg,
          sem):
    cid = lax.axis_index("c")
    sid = lax.axis_index("s")
    wid = cid * NUM_SUBCORES + sid

    zero = jnp.zeros((16,), jnp.float32)

    def zbody(r, carry):
      for k in range(d // 16):
        msgs[r, pl.ds(k * 16, 16)] = zero
      return carry

    lax.fori_loop(0, CHUNK, zbody, 0)
    base = sid * rows_per_tile

    def zcopy(i, carry):
      pltpu.sync_copy(msgs, agg.at[pl.ds(base + i * CHUNK, CHUNK)])
      return carry

    lax.fori_loop(0, KB, zcopy, 0)
    plsc.subcore_barrier()

    np2 = P // 2

    def group(g, carry):
      pltpu.sync_copy(src_hbm.at[wid, pl.ds(g * P, P)], src_v)
      pltpu.sync_copy(dst_hbm.at[wid, pl.ds(g * P, P)], dst_v)
      pltpu.async_copy(h_hbm.at[src_v.at[0]], msgs, sem)

      def body(j2, c):
        l0 = 2 * j2
        pltpu.make_async_copy(h_hbm.at[src_v.at[l0]], msgs, sem).wait()
        pltpu.async_copy(h_hbm.at[src_v.at[l0 + 1]], msgs1, sem)
        pltpu.sync_copy(msgs, agg.at[dst_v.at[l0]], add=True)

        pltpu.make_async_copy(h_hbm.at[src_v.at[l0 + 1]], msgs1, sem).wait()

        @pl.when(j2 + 1 < np2)
        def _():
          pltpu.async_copy(h_hbm.at[src_v.at[l0 + 2]], msgs, sem)

        pltpu.sync_copy(msgs1, agg.at[dst_v.at[l0 + 1]], add=True)
        return c

      lax.fori_loop(0, np2, body, 0)
      return carry

    lax.fori_loop(0, cpt // P, group, 0)
    plsc.subcore_barrier()

    def ocopy(i, carry):
      sl = pl.ds(base + i * CHUNK, CHUNK)
      pltpu.sync_copy(agg.at[sl], out_hbm.at[cid, sl])
      return carry

    lax.fori_loop(0, KB, ocopy, 0)

  return seg(h, src, dst)


@functools.partial(jax.jit, static_argnums=(3,))
def _linear(p, w, b, leaky):
  n_pad, d = p.shape[1], p.shape[2]
  blk = 512
  grid = n_pad // blk
  b2 = b.reshape(1, d)

  def body(p_ref, w_ref, b_ref, o_ref):
    s = p_ref[0] + p_ref[1]
    y = jnp.dot(s, w_ref[...], preferred_element_type=jnp.float32)
    y = y + b_ref[...]
    if leaky:
      y = jnp.where(y >= 0, y, 0.1 * y)
    o_ref[0] = y
    o_ref[1] = y

  return pl.pallas_call(
      body,
      grid=(grid,),
      in_specs=[
          pl.BlockSpec((NUM_CORES, blk, d), lambda i: (0, i, 0)),
          pl.BlockSpec((d, d), lambda i: (0, 0)),
          pl.BlockSpec((1, d), lambda i: (0, 0)),
      ],
      out_specs=pl.BlockSpec((NUM_CORES, blk, d), lambda i: (0, i, 0)),
      out_shape=jax.ShapeDtypeStruct((NUM_CORES, n_pad, d), jnp.float32),
  )(p, w, b2)


def kernel(in_feat, edge_index, W1, b1, W2, b2, W3, b3):
  n, d = in_feat.shape
  e = edge_index.shape[1]

  cpt = -(-e // (NW * CHUNK))
  cpt += (-cpt) % P
  e_pad = NW * CHUNK * cpt
  n_pad = NUM_SUBCORES * KB * CHUNK
  assert n_pad > n

  src = jnp.concatenate(
      [edge_index[0], jnp.zeros((e_pad - e,), jnp.int32)]).reshape(
          NW, cpt, CHUNK)
  core_off = jnp.where(jnp.arange(NW) >= NUM_SUBCORES, n_pad, 0).astype(
      jnp.int32)
  src = src + core_off[:, None, None]
  dst = jnp.concatenate(
      [edge_index[1], jnp.full((e_pad - e,), n, jnp.int32)]).reshape(
          NW, cpt, CHUNK)
  h0 = jnp.pad(in_feat, ((0, n_pad - n), (0, 0)))
  h = jnp.concatenate([h0, h0], axis=0)

  p = _segsum(h, src, dst, n_pad, cpt)
  h = _linear(p, W1, b1, True).reshape(2 * n_pad, d)
  p = _segsum(h, src, dst, n_pad, cpt)
  h = _linear(p, W2, b2, True).reshape(2 * n_pad, d)
  p = _segsum(h, src, dst, n_pad, cpt)
  h = _linear(p, W3, b3, False)
  return h[0, :n]

# --- scband reference (transcript-rebuilt; emitter-appended) ---
"""Pipeline reference for scband-gcn3-44023414784199 (READ-ONLY COPY).

The authoritative reference and input builder live on the scoring server;
editing this copy changes nothing except your own understanding.
"""

import jax, jax.numpy as jnp
import numpy as np

N = 10000
E = 320000
D = 128


def setup_inputs(seed: int = 0) -> dict:
    key = jax.random.key(seed)
    ks = jax.random.split(key, 9)
    x = jax.random.normal(ks[0], (N, D), dtype=jnp.float32)
    edge_index = jax.random.randint(ks[1], (2, E), 0, N, dtype=jnp.int32)
    s1 = 1.0 / np.sqrt(D)
    W1 = jax.random.normal(ks[2], (D, D), dtype=jnp.float32) * s1
    b1 = jax.random.normal(ks[3], (D,), dtype=jnp.float32) * s1
    W2 = jax.random.normal(ks[4], (D, D), dtype=jnp.float32) * s1
    b2 = jax.random.normal(ks[5], (D,), dtype=jnp.float32) * s1
    W3 = jax.random.normal(ks[6], (D, D), dtype=jnp.float32) * s1
    b3 = jax.random.normal(ks[7], (D,), dtype=jnp.float32) * s1
    return {"in_feat": x, "edge_index": edge_index, "W1": W1, "b1": b1, "W2": W2, "b2": b2, "W3": W3, "b3": b3}


def _gcn_layer(h, src, dst, W, b):
    # DGL: copy_u -> sum over incoming edges, then Linear
    msgs = jnp.take(h, src, axis=0)
    agg = jax.ops.segment_sum(msgs, dst, num_segments=N)
    return agg @ W + b


def reference(in_feat, edge_index, W1, b1, W2, b2, W3, b3):
    src = edge_index[0]
    dst = edge_index[1]
    h = jax.nn.leaky_relu(_gcn_layer(in_feat, src, dst, W1, b1), negative_slope=0.1)
    h = jax.nn.leaky_relu(_gcn_layer(h, src, dst, W2, b2), negative_slope=0.1)
    h = _gcn_layer(h, src, dst, W3, b3)
    return h

if __name__ == "__main__":
    import jax
    _d = setup_inputs()
    print(jax.jit(kernel)(*tuple(_d.values())))

</pallas_src>

<mosaic_0001>
#map = affine_map<(d0, d1) -> (0, 0)>
#map1 = affine_map<(d0, d1) -> (0, 0, 0)>
module attributes {stable_mosaic.version = 14 : i64} {
  func.func @seg(%arg0: i32, %arg1: i32, %arg2: memref<20480x128xf32, #tpu.memory_space<hbm>>, %arg3: memref<32x80x128xi32, #tpu.memory_space<hbm>>, %arg4: memref<32x80x128xi32, #tpu.memory_space<hbm>>, %arg5: memref<2x10240x128xf32, #tpu.memory_space<hbm>>, %arg6: memref<40x128xi32, #tpu.memory_space<vmem>>, %arg7: memref<40x128xi32, #tpu.memory_space<vmem>>, %arg8: memref<128x128xf32, #tpu.memory_space<vmem>>, %arg9: memref<128x128xf32, #tpu.memory_space<vmem>>, %arg10: memref<10240x128xf32, #tpu.memory_space<vmem_shared>>, %arg11: memref<!tpu.dma_semaphore, #tpu.memory_space<semaphore_mem>>) attributes {dimension_semantics = [#tpu.dimension_semantics<core_parallel>, #tpu.dimension_semantics<subcore_parallel>], iteration_bounds = array<i64: 2, 16>, scalar_prefetch = 0 : i64, scratch_operands = 6 : i64, tpu.core_type = #tpu.core_type<sc_vector_subcore>, window_params = [{transform_indices = #map}, {transform_indices = #map1}, {transform_indices = #map1}, {transform_indices = #map1}]} {
    %mul3A = arith.constant 16 : i32
    %mul3A_0 = arith.muli %arg0, %mul3A : i32
    %add3A = arith.addi %mul3A_0, %arg1 : i32
    %broadcast_in_dim3A = arith.constant 0.000000e+00 : f32
    %broadcast_in_dim3A_1 = vector.broadcast %broadcast_in_dim3A : f32 to vector<16xf32>
    %scan3A = arith.constant 0 : i32
    %scan3A_2 = arith.constant 0 : i32
    %scan3A_3 = arith.constant 128 : i32
    %scan3A_4 = arith.addi %scan3A_2, %scan3A_3 : i32
    %scan3A_5 = arith.constant 1 : i32
    scf.for %scan3A_28 = %scan3A_2 to %scan3A_4 step %scan3A_5  : i32 {
      %swap3A = arith.index_cast %scan3A_28 : i32 to index
      %swap3A_29 = arith.constant 0 : index
      %swap3A_30 = tpu.vector_load %arg8[%swap3A, %swap3A_29] {strides = array<i32>} : memref<128x128xf32, #tpu.memory_space<vmem>>, vector<1x16xf32>,
      %swap3A_31 = vector.shape_cast %swap3A_30 : vector<1x16xf32> to vector<16xf32>
      %swap3A_32 = vector.shape_cast %broadcast_in_dim3A_1 : vector<16xf32> to vector<1x16xf32>
      tpu.vector_store %arg8[%swap3A, %swap3A_29], %swap3A_32 {strides = array<i32>} : memref<128x128xf32, #tpu.memory_space<vmem>>, vector<1x16xf32>,
      %swap3A_33 = arith.index_cast %scan3A_28 : i32 to index
      %swap3A_34 = arith.constant 16 : index
      %swap3A_35 = tpu.vector_load %arg8[%swap3A_33, %swap3A_34] {strides = array<i32>} : memref<128x128xf32, #tpu.memory_space<vmem>>, vector<1x16xf32>,
      %swap3A_36 = vector.shape_cast %swap3A_35 : vector<1x16xf32> to vector<16xf32>
      %swap3A_37 = vector.shape_cast %broadcast_in_dim3A_1 : vector<16xf32> to vector<1x16xf32>
      tpu.vector_store %arg8[%swap3A_33, %swap3A_34], %swap3A_37 {strides = array<i32>} : memref<128x128xf32, #tpu.memory_space<vmem>>, vector<1x16xf32>,
      %swap3A_38 = arith.index_cast %scan3A_28 : i32 to index
      %swap3A_39 = arith.constant 32 : index
      %swap3A_40 = tpu.vector_load %arg8[%swap3A_38, %swap3A_39] {strides = array<i32>} : memref<128x128xf32, #tpu.memory_space<vmem>>, vector<1x16xf32>,
      %swap3A_41 = vector.shape_cast %swap3A_40 : vector<1x16xf32> to vector<16xf32>
      %swap3A_42 = vector.shape_cast %broadcast_in_dim3A_1 : vector<16xf32> to vector<1x16xf32>
      tpu.vector_store %arg8[%swap3A_38, %swap3A_39], %swap3A_42 {strides = array<i32>} : memref<128x128xf32, #tpu.memory_space<vmem>>, vector<1x16xf32>,
      %swap3A_43 = arith.index_cast %scan3A_28 : i32 to index
      %swap3A_44 = arith.constant 48 : index
      %swap3A_45 = tpu.vector_load %arg8[%swap3A_43, %swap3A_44] {strides = array<i32>} : memref<128x128xf32, #tpu.memory_space<vmem>>, vector<1x16xf32>,
      %swap3A_46 = vector.shape_cast %swap3A_45 : vector<1x16xf32> to vector<16xf32>
      %swap3A_47 = vector.shape_cast %broadcast_in_dim3A_1 : vector<16xf32> to vector<1x16xf32>
      tpu.vector_store %arg8[%swap3A_43, %swap3A_44], %swap3A_47 {strides = array<i32>} : memref<128x128xf32, #tpu.memory_space<vmem>>, vector<1x16xf32>,
      %swap3A_48 = arith.index_cast %scan3A_28 : i32 to index
      %swap3A_49 = arith.constant 64 : index
      %swap3A_50 = tpu.vector_load %arg8[%swap3A_48, %swap3A_49] {strides = array<i32>} : memref<128x128xf32, #tpu.memory_space<vmem>>, vector<1x16xf32>,
      %swap3A_51 = vector.shape_cast %swap3A_50 : vector<1x16xf32> to vector<16xf32>
      %swap3A_52 = vector.shape_cast %broadcast_in_dim3A_1 : vector<16xf32> to vector<1x16xf32>
      tpu.vector_store %arg8[%swap3A_48, %swap3A_49], %swap3A_52 {strides = array<i32>} : memref<128x128xf32, #tpu.memory_space<vmem>>, vector<1x16xf32>,
      %swap3A_53 = arith.index_cast %scan3A_28 : i32 to index
      %swap3A_54 = arith.constant 80 : index
      %swap3A_55 = tpu.vector_load %arg8[%swap3A_53, %swap3A_54] {strides = array<i32>} : memref<128x128xf32, #tpu.memory_space<vmem>>, vector<1x16xf32>,
      %swap3A_56 = vector.shape_cast %swap3A_55 : vector<1x16xf32> to vector<16xf32>
      %swap3A_57 = vector.shape_cast %broadcast_in_dim3A_1 : vector<16xf32> to vector<1x16xf32>
      tpu.vector_store %arg8[%swap3A_53, %swap3A_54], %swap3A_57 {strides = array<i32>} : memref<128x128xf32, #tpu.memory_space<vmem>>, vector<1x16xf32>,
      %swap3A_58 = arith.index_cast %scan3A_28 : i32 to index
      %swap3A_59 = arith.constant 96 : index
      %swap3A_60 = tpu.vector_load %arg8[%swap3A_58, %swap3A_59] {strides = array<i32>} : memref<128x128xf32, #tpu.memory_space<vmem>>, vector<1x16xf32>,
      %swap3A_61 = vector.shape_cast %swap3A_60 : vector<1x16xf32> to vector<16xf32>
      %swap3A_62 = vector.shape_cast %broadcast_in_dim3A_1 : vector<16xf32> to vector<1x16xf32>
      tpu.vector_store %arg8[%swap3A_58, %swap3A_59], %swap3A_62 {strides = array<i32>} : memref<128x128xf32, #tpu.memory_space<vmem>>, vector<1x16xf32>,
      %swap3A_63 = arith.index_cast %scan3A_28 : i32 to index
      %swap3A_64 = arith.constant 112 : index
      %swap3A_65 = tpu.vector_load %arg8[%swap3A_63, %swap3A_64] {strides = array<i32>} : memref<128x128xf32, #tpu.memory_space<vmem>>, vector<1x16xf32>,
      %swap3A_66 = vector.shape_cast %swap3A_65 : vector<1x16xf32> to vector<16xf32>
      %swap3A_67 = vector.shape_cast %broadcast_in_dim3A_1 : vector<16xf32> to vector<1x16xf32>
      tpu.vector_store %arg8[%swap3A_63, %swap3A_64], %swap3A_67 {strides = array<i32>} : memref<128x128xf32, #tpu.memory_space<vmem>>, vector<1x16xf32>,
    }
    %scan3A_6 = arith.constant 128 : i32
    %mul3A_7 = arith.constant 640 : i32
    %mul3A_8 = arith.muli %arg1, %mul3A_7 : i32
    %scan3A_9 = arith.constant 0 : i32
    %scan3A_10 = arith.constant 0 : i32
    %scan3A_11 = arith.constant 5 : i32
    %scan3A_12 = arith.addi %scan3A_10, %scan3A_11 : i32
    %scan3A_13 = arith.constant 1 : i32
    scf.for %scan3A_28 = %scan3A_10 to %scan3A_12 step %scan3A_13  : i32 {
      %mul3A_29 = arith.constant 128 : i32
      %mul3A_30 = arith.muli %scan3A_28, %mul3A_29 : i32
      %add3A_31 = arith.addi %mul3A_8, %mul3A_30 : i32
      "tpu.region"() ({
        %run_scoped3A = tpu.sem_alloc : memref<!tpu.dma_semaphore, #tpu.memory_space<semaphore_mem>>
        %dma_start3A = arith.constant 0 : i32
        %dma_start3A_32 = tpu.memref_slice %arg10[%add3A_31, %dma_start3A] : memref<10240x128xf32, #tpu.memory_space<vmem_shared>> -> memref<128x128xf32, #tpu.memory_space<vmem_shared>>
        %dma_start3A_33 = arith.constant 0 : i32
        %dma_start3A_34 = tpu.memref_slice %arg10[%add3A_31, %dma_start3A_33] : memref<10240x128xf32, #tpu.memory_space<vmem_shared>> -> memref<128x128xf32, #tpu.memory_space<vmem_shared>>
        tpu.enqueue_dma source(%arg8 : memref<128x128xf32, #tpu.memory_space<vmem>>) target(%dma_start3A_34 : memref<128x128xf32, #tpu.memory_space<vmem_shared>>) target_semaphore(%run_scoped3A : memref<!tpu.dma_semaphore, #tpu.memory_space<semaphore_mem>>)
        %dma_wait3A = arith.constant 0 : i32
        %dma_wait3A_35 = tpu.memref_slice %arg10[%add3A_31, %dma_wait3A] : memref<10240x128xf32, #tpu.memory_space<vmem_shared>> -> memref<128x128xf32, #tpu.memory_space<vmem_shared>>
        %dma_wait3A_36 = arith.constant 0 : i32
        %dma_wait3A_37 = tpu.memref_slice %arg10[%add3A_31, %dma_wait3A_36] : memref<10240x128xf32, #tpu.memory_space<vmem_shared>> -> memref<128x128xf32, #tpu.memory_space<vmem_shared>>
        tpu.wait_dma2 semaphore(%run_scoped3A : memref<!tpu.dma_semaphore, #tpu.memory_space<semaphore_mem>>) src(%arg8 : memref<128x128xf32, #tpu.memory_space<vmem>>) dst(%dma_wait3A_37 : memref<128x128xf32, #tpu.memory_space<vmem_shared>>)
        tpu.yield
      }) : () -> ()
    }
    %scan3A_14 = arith.constant 5 : i32
    %barrier3A = arith.constant 0 : index
    tpu.barrier barrier_id(%barrier3A)
    %scan3A_15 = arith.constant 0 : i32
    %scan3A_16 = arith.constant 0 : i32
    %scan3A_17 = arith.constant 2 : i32
    %scan3A_18 = arith.addi %scan3A_16, %scan3A_17 : i32
    %scan3A_19 = arith.constant 1 : i32
    scf.for %scan3A_28 = %scan3A_16 to %scan3A_18 step %scan3A_19  : i32 {
      %mul3A_29 = arith.constant 40 : i32
      %mul3A_30 = arith.muli %scan3A_28, %mul3A_29 : i32
      "tpu.region"() ({
        %run_scoped3A = tpu.sem_alloc : memref<!tpu.dma_semaphore, #tpu.memory_space<semaphore_mem>>
        %dma_start3A_45 = arith.constant 0 : i32
        %dma_start3A_46 = tpu.memref_slice %arg3[%add3A, %mul3A_30, %dma_start3A_45] : memref<32x80x128xi32, #tpu.memory_space<hbm>> -> memref<1x40x128xi32, #tpu.memory_space<hbm>>
        %dma_start3A_47 = tpu.memref_squeeze %dma_start3A_46 : memref<1x40x128xi32, #tpu.memory_space<hbm>> -> memref<40x128xi32, #tpu.memory_space<hbm>>
        %dma_start3A_48 = arith.constant 0 : i32
        %dma_start3A_49 = tpu.memref_slice %arg3[%add3A, %mul3A_30, %dma_start3A_48] : memref<32x80x128xi32, #tpu.memory_space<hbm>> -> memref<1x40x128xi32, #tpu.memory_space<hbm>>
        %dma_start3A_50 = tpu.memref_squeeze %dma_start3A_49 : memref<1x40x128xi32, #tpu.memory_space<hbm>> -> memref<40x128xi32, #tpu.memory_space<hbm>>
        tpu.enqueue_dma source(%dma_start3A_50 : memref<40x128xi32, #tpu.memory_space<hbm>>) target(%arg6 : memref<40x128xi32, #tpu.memory_space<vmem>>) target_semaphore(%run_scoped3A : memref<!tpu.dma_semaphore, #tpu.memory_space<semaphore_mem>>)
        %dma_wait3A = arith.constant 0 : i32
        %dma_wait3A_51 = tpu.memref_slice %arg3[%add3A, %mul3A_30, %dma_wait3A] : memref<32x80x128xi32, #tpu.memory_space<hbm>> -> memref<1x40x128xi32, #tpu.memory_space<hbm>>
        %dma_wait3A_52 = tpu.memref_squeeze %dma_wait3A_51 : memref<1x40x128xi32, #tpu.memory_space<hbm>> -> memref<40x128xi32, #tpu.memory_space<hbm>>
        %dma_wait3A_53 = arith.constant 0 : i32
        %dma_wait3A_54 = tpu.memref_slice %arg3[%add3A, %mul3A_30, %dma_wait3A_53] : memref<32x80x128xi32, #tpu.memory_space<hbm>> -> memref<1x40x128xi32, #tpu.memory_space<hbm>>
        %dma_wait3A_55 = tpu.memref_squeeze %dma_wait3A_54 : memref<1x40x128xi32, #tpu.memory_space<hbm>> -> memref<40x128xi32, #tpu.memory_space<hbm>>
        tpu.wait_dma2 semaphore(%run_scoped3A : memref<!tpu.dma_semaphore, #tpu.memory_space<semaphore_mem>>) src(%dma_wait3A_55 : memref<40x128xi32, #tpu.memory_space<hbm>>) dst(%arg6 : memref<40x128xi32, #tpu.memory_space<vmem>>)
        tpu.yield
      }) : () -> ()
      %mul3A_31 = arith.constant 40 : i32
      %mul3A_32 = arith.muli %scan3A_28, %mul3A_31 : i32
      "tpu.region"() ({
        %run_scoped3A = tpu.sem_alloc : memref<!tpu.dma_semaphore, #tpu.memory_space<semaphore_mem>>
        %dma_start3A_45 = arith.constant 0 : i32
        %dma_start3A_46 = tpu.memref_slice %arg4[%add3A, %mul3A_32, %dma_start3A_45] : memref<32x80x128xi32, #tpu.memory_space<hbm>> -> memref<1x40x128xi32, #tpu.memory_space<hbm>>
        %dma_start3A_47 = tpu.memref_squeeze %dma_start3A_46 : memref<1x40x128xi32, #tpu.memory_space<hbm>> -> memref<40x128xi32, #tpu.memory_space<hbm>>
        %dma_start3A_48 = arith.constant 0 : i32
        %dma_start3A_49 = tpu.memref_slice %arg4[%add3A, %mul3A_32, %dma_start3A_48] : memref<32x80x128xi32, #tpu.memory_space<hbm>> -> memref<1x40x128xi32, #tpu.memory_space<hbm>>
        %dma_start3A_50 = tpu.memref_squeeze %dma_start3A_49 : memref<1x40x128xi32, #tpu.memory_space<hbm>> -> memref<40x128xi32, #tpu.memory_space<hbm>>
        tpu.enqueue_dma source(%dma_start3A_50 : memref<40x128xi32, #tpu.memory_space<hbm>>) target(%arg7 : memref<40x128xi32, #tpu.memory_space<vmem>>) target_semaphore(%run_scoped3A : memref<!tpu.dma_semaphore, #tpu.memory_space<semaphore_mem>>)
        %dma_wait3A = arith.constant 0 : i32
        %dma_wait3A_51 = tpu.memref_slice %arg4[%add3A, %mul3A_32, %dma_wait3A] : memref<32x80x128xi32, #tpu.memory_space<hbm>> -> memref<1x40x128xi32, #tpu.memory_space<hbm>>
        %dma_wait3A_52 = tpu.memref_squeeze %dma_wait3A_51 : memref<1x40x128xi32, #tpu.memory_space<hbm>> -> memref<40x128xi32, #tpu.memory_space<hbm>>
        %dma_wait3A_53 = arith.constant 0 : i32
        %dma_wait3A_54 = tpu.memref_slice %arg4[%add3A, %mul3A_32, %dma_wait3A_53] : memref<32x80x128xi32, #tpu.memory_space<hbm>> -> memref<1x40x128xi32, #tpu.memory_space<hbm>>
        %dma_wait3A_55 = tpu.memref_squeeze %dma_wait3A_54 : memref<1x40x128xi32, #tpu.memory_space<hbm>> -> memref<40x128xi32, #tpu.memory_space<hbm>>
        tpu.wait_dma2 semaphore(%run_scoped3A : memref<!tpu.dma_semaphore, #tpu.memory_space<semaphore_mem>>) src(%dma_wait3A_55 : memref<40x128xi32, #tpu.memory_space<hbm>>) dst(%arg7 : memref<40x128xi32, #tpu.memory_space<vmem>>)
        tpu.yield
      }) : () -> ()
      %dma_start3A = arith.constant 0 : i32
      %dma_start3A_33 = arith.constant 0 : i32
      %dma_start3A_34 = tpu.memref_slice %arg6[%dma_start3A, %dma_start3A_33] : memref<40x128xi32, #tpu.memory_space<vmem>> -> memref<1x128xi32, #tpu.memory_space<vmem>>
      %dma_start3A_35 = tpu.memref_squeeze %dma_start3A_34 : memref<1x128xi32, #tpu.memory_space<vmem>> -> memref<128xi32, #tpu.memory_space<vmem>>
      %dma_start3A_36 = arith.constant 0 : i32
      %dma_start3A_37 = arith.constant 0 : i32
      %dma_start3A_38 = tpu.memref_slice %arg2[%dma_start3A_36, %dma_start3A_37] : memref<20480x128xf32, #tpu.memory_space<hbm>> -> memref<20480x128xf32, #tpu.memory_space<hbm>>
      tpu.enqueue_indirect_dma source(%dma_start3A_38 : memref<20480x128xf32, #tpu.memory_space<hbm>>) target(%arg8 : memref<128x128xf32, #tpu.memory_space<vmem>>) offsets(%dma_start3A_35 : memref<128xi32, #tpu.memory_space<vmem>>) semaphore(%arg11 : memref<!tpu.dma_semaphore, #tpu.memory_space<semaphore_mem>>)
      %scan3A_39 = arith.constant 0 : i32
      %scan3A_40 = arith.constant 0 : i32
      %scan3A_41 = arith.constant 20 : i32
      %scan3A_42 = arith.addi %scan3A_40, %scan3A_41 : i32
      %scan3A_43 = arith.constant 1 : i32
      scf.for %scan3A_45 = %scan3A_40 to %scan3A_42 step %scan3A_43  : i32 {
        %mul3A_46 = arith.constant 2 : i32
        %mul3A_47 = arith.muli %mul3A_46, %scan3A_45 : i32
        %dma_wait3A = arith.constant 0 : i32
        %dma_wait3A_48 = tpu.memref_slice %arg6[%mul3A_47, %dma_wait3A] : memref<40x128xi32, #tpu.memory_space<vmem>> -> memref<1x128xi32, #tpu.memory_space<vmem>>
        %dma_wait3A_49 = tpu.memref_squeeze %dma_wait3A_48 : memref<1x128xi32, #tpu.memory_space<vmem>> -> memref<128xi32, #tpu.memory_space<vmem>>
        %dma_wait3A_50 = arith.constant 0 : i32
        %dma_wait3A_51 = arith.constant 0 : i32
        %dma_wait3A_52 = tpu.memref_slice %arg2[%dma_wait3A_50, %dma_wait3A_51] : memref<20480x128xf32, #tpu.memory_space<hbm>> -> memref<20480x128xf32, #tpu.memory_space<hbm>>
        tpu.wait_indirect_dma semaphore(%arg11 : memref<!tpu.dma_semaphore, #tpu.memory_space<semaphore_mem>>) src(%dma_wait3A_52 : memref<20480x128xf32, #tpu.memory_space<hbm>>) dst(%arg8 : memref<128x128xf32, #tpu.memory_space<vmem>>)
        %add3A_53 = arith.constant 1 : i32
        %add3A_54 = arith.addi %mul3A_47, %add3A_53 : i32
        %dma_start3A_55 = arith.constant 0 : i32
        %dma_start3A_56 = tpu.memref_slice %arg6[%add3A_54, %dma_start3A_55] : memref<40x128xi32, #tpu.memory_space<vmem>> -> memref<1x128xi32, #tpu.memory_space<vmem>>
        %dma_start3A_57 = tpu.memref_squeeze %dma_start3A_56 : memref<1x128xi32, #tpu.memory_space<vmem>> -> memref<128xi32, #tpu.memory_space<vmem>>
        %dma_start3A_58 = arith.constant 0 : i32
        %dma_start3A_59 = arith.constant 0 : i32
        %dma_start3A_60 = tpu.memref_slice %arg2[%dma_start3A_58, %dma_start3A_59] : memref<20480x128xf32, #tpu.memory_space<hbm>> -> memref<20480x128xf32, #tpu.memory_space<hbm>>
        tpu.enqueue_indirect_dma source(%dma_start3A_60 : memref<20480x128xf32, #tpu.memory_space<hbm>>) target(%arg9 : memref<128x128xf32, #tpu.memory_space<vmem>>) offsets(%dma_start3A_57 : memref<128xi32, #tpu.memory_space<vmem>>) semaphore(%arg11 : memref<!tpu.dma_semaphore, #tpu.memory_space<semaphore_mem>>)
        "tpu.region"() ({
          %run_scoped3A = tpu.sem_alloc : memref<!tpu.dma_semaphore, #tpu.memory_space<semaphore_mem>>
          %dma_start3A_75 = arith.constant 0 : i32
          %dma_start3A_76 = tpu.memref_slice %arg7[%mul3A_47, %dma_start3A_75] : memref<40x128xi32, #tpu.memory_space<vmem>> -> memref<1x128xi32, #tpu.memory_space<vmem>>
          %dma_start3A_77 = tpu.memref_squeeze %dma_start3A_76 : memref<1x128xi32, #tpu.memory_space<vmem>> -> memref<128xi32, #tpu.memory_space<vmem>>
          %dma_start3A_78 = arith.constant 0 : i32
          %dma_start3A_79 = arith.constant 0 : i32
          %dma_start3A_80 = tpu.memref_slice %arg10[%dma_start3A_78, %dma_start3A_79] : memref<10240x128xf32, #tpu.memory_space<vmem_shared>> -> memref<10240x128xf32, #tpu.memory_space<vmem_shared>>
          tpu.enqueue_indirect_dma source(%arg8 : memref<128x128xf32, #tpu.memory_space<vmem>>) target(%dma_start3A_80 : memref<10240x128xf32, #tpu.memory_space<vmem_shared>>) offsets(%dma_start3A_77 : memref<128xi32, #tpu.memory_space<vmem>>) semaphore(%run_scoped3A : memref<!tpu.dma_semaphore, #tpu.memory_space<semaphore_mem>>) {add = true}
          %dma_wait3A_81 = arith.constant 0 : i32
          %dma_wait3A_82 = tpu.memref_slice %arg7[%mul3A_47, %dma_wait3A_81] : memref<40x128xi32, #tpu.memory_space<vmem>> -> memref<1x128xi32, #tpu.memory_space<vmem>>
          %dma_wait3A_83 = tpu.memref_squeeze %dma_wait3A_82 : memref<1x128xi32, #tpu.memory_space<vmem>> -> memref<128xi32, #tpu.memory_space<vmem>>
          %dma_wait3A_84 = arith.constant 0 : i32
          %dma_wait3A_85 = arith.constant 0 : i32
          %dma_wait3A_86 = tpu.memref_slice %arg10[%dma_wait3A_84, %dma_wait3A_85] : memref<10240x128xf32, #tpu.memory_space<vmem_shared>> -> memref<10240x128xf32, #tpu.memory_space<vmem_shared>>
          tpu.wait_indirect_dma semaphore(%run_scoped3A : memref<!tpu.dma_semaphore, #tpu.memory_space<semaphore_mem>>) src(%arg8 : memref<128x128xf32, #tpu.memory_space<vmem>>) dst(%dma_wait3A_86 : memref<10240x128xf32, #tpu.memory_space<vmem_shared>>)
          tpu.yield
        }) : () -> ()
        %add3A_61 = arith.constant 1 : i32
        %add3A_62 = arith.addi %mul3A_47, %add3A_61 : i32
        %dma_wait3A_63 = arith.constant 0 : i32
        %dma_wait3A_64 = tpu.memref_slice %arg6[%add3A_62, %dma_wait3A_63] : memref<40x128xi32, #tpu.memory_space<vmem>> -> memref<1x128xi32, #tpu.memory_space<vmem>>
        %dma_wait3A_65 = tpu.memref_squeeze %dma_wait3A_64 : memref<1x128xi32, #tpu.memory_space<vmem>> -> memref<128xi32, #tpu.memory_space<vmem>>
        %dma_wait3A_66 = arith.constant 0 : i32
        %dma_wait3A_67 = arith.constant 0 : i32
        %dma_wait3A_68 = tpu.memref_slice %arg2[%dma_wait3A_66, %dma_wait3A_67] : memref<20480x128xf32, #tpu.memory_space<hbm>> -> memref<20480x128xf32, #tpu.memory_space<hbm>>
        tpu.wait_indirect_dma semaphore(%arg11 : memref<!tpu.dma_semaphore, #tpu.memory_space<semaphore_mem>>) src(%dma_wait3A_68 : memref<20480x128xf32, #tpu.memory_space<hbm>>) dst(%arg9 : memref<128x128xf32, #tpu.memory_space<vmem>>)
        %add3A_69 = arith.constant 1 : i32
        %add3A_70 = arith.addi %scan3A_45, %add3A_69 : i32
        %lt3A = arith.constant 20 : i32
        %lt3A_71 = arith.cmpi slt, %add3A_70, %lt3A : i32
        %convert_element_type3A = arith.extui %lt3A_71 : i1 to i32
        %cond3A = arith.constant 0 : i32
        %cond3A_72 = arith.cmpi ne, %convert_element_type3A, %cond3A : i32
        scf.if %cond3A_72 {
          %add3A_75 = arith.constant 2 : i32
          %add3A_76 = arith.addi %mul3A_47, %add3A_75 : i32
          %dma_start3A_77 = arith.constant 0 : i32
          %dma_start3A_78 = tpu.memref_slice %arg6[%add3A_76, %dma_start3A_77] : memref<40x128xi32, #tpu.memory_space<vmem>> -> memref<1x128xi32, #tpu.memory_space<vmem>>
          %dma_start3A_79 = tpu.memref_squeeze %dma_start3A_78 : memref<1x128xi32, #tpu.memory_space<vmem>> -> memref<128xi32, #tpu.memory_space<vmem>>
          %dma_start3A_80 = arith.constant 0 : i32
          %dma_start3A_81 = arith.constant 0 : i32
          %dma_start3A_82 = tpu.memref_slice %arg2[%dma_start3A_80, %dma_start3A_81] : memref<20480x128xf32, #tpu.memory_space<hbm>> -> memref<20480x128xf32, #tpu.memory_space<hbm>>
          tpu.enqueue_indirect_dma source(%dma_start3A_82 : memref<20480x128xf32, #tpu.memory_space<hbm>>) target(%arg8 : memref<128x128xf32, #tpu.memory_space<vmem>>) offsets(%dma_start3A_79 : memref<128xi32, #tpu.memory_space<vmem>>) semaphore(%arg11 : memref<!tpu.dma_semaphore, #tpu.memory_space<semaphore_mem>>)
        } else {
        }
        %add3A_73 = arith.constant 1 : i32
        %add3A_74 = arith.addi %mul3A_47, %add3A_73 : i32
        "tpu.region"() ({
          %run_scoped3A = tpu.sem_alloc : memref<!tpu.dma_semaphore, #tpu.memory_space<semaphore_mem>>
          %dma_start3A_75 = arith.constant 0 : i32
          %dma_start3A_76 = tpu.memref_slice %arg7[%add3A_74, %dma_start3A_75] : memref<40x128xi32, #tpu.memory_space<vmem>> -> memref<1x128xi32, #tpu.memory_space<vmem>>
          %dma_start3A_77 = tpu.memref_squeeze %dma_start3A_76 : memref<1x128xi32, #tpu.memory_space<vmem>> -> memref<128xi32, #tpu.memory_space<vmem>>
          %dma_start3A_78 = arith.constant 0 : i32
          %dma_start3A_79 = arith.constant 0 : i32
          %dma_start3A_80 = tpu.memref_slice %arg10[%dma_start3A_78, %dma_start3A_79] : memref<10240x128xf32, #tpu.memory_space<vmem_shared>> -> memref<10240x128xf32, #tpu.memory_space<vmem_shared>>
          tpu.enqueue_indirect_dma source(%arg9 : memref<128x128xf32, #tpu.memory_space<vmem>>) target(%dma_start3A_80 : memref<10240x128xf32, #tpu.memory_space<vmem_shared>>) offsets(%dma_start3A_77 : memref<128xi32, #tpu.memory_space<vmem>>) semaphore(%run_scoped3A : memref<!tpu.dma_semaphore, #tpu.memory_space<semaphore_mem>>) {add = true}
          %dma_wait3A_81 = arith.constant 0 : i32
          %dma_wait3A_82 = tpu.memref_slice %arg7[%add3A_74, %dma_wait3A_81] : memref<40x128xi32, #tpu.memory_space<vmem>> -> memref<1x128xi32, #tpu.memory_space<vmem>>
          %dma_wait3A_83 = tpu.memref_squeeze %dma_wait3A_82 : memref<1x128xi32, #tpu.memory_space<vmem>> -> memref<128xi32, #tpu.memory_space<vmem>>
          %dma_wait3A_84 = arith.constant 0 : i32
          %dma_wait3A_85 = arith.constant 0 : i32
          %dma_wait3A_86 = tpu.memref_slice %arg10[%dma_wait3A_84, %dma_wait3A_85] : memref<10240x128xf32, #tpu.memory_space<vmem_shared>> -> memref<10240x128xf32, #tpu.memory_space<vmem_shared>>
          tpu.wait_indirect_dma semaphore(%run_scoped3A : memref<!tpu.dma_semaphore, #tpu.memory_space<semaphore_mem>>) src(%arg9 : memref<128x128xf32, #tpu.memory_space<vmem>>) dst(%dma_wait3A_86 : memref<10240x128xf32, #tpu.memory_space<vmem_shared>>)
          tpu.yield
        }) : () -> ()
      }
      %scan3A_44 = arith.constant 20 : i32
    }
    %scan3A_20 = arith.constant 2 : i32
    %barrier3A_21 = arith.constant 0 : index
    tpu.barrier barrier_id(%barrier3A_21)
    %scan3A_22 = arith.constant 0 : i32
    %scan3A_23 = arith.constant 0 : i32
    %scan3A_24 = arith.constant 5 : i32
    %scan3A_25 = arith.addi %scan3A_23, %scan3A_24 : i32
    %scan3A_26 = arith.constant 1 : i32
    scf.for %scan3A_28 = %scan3A_23 to %scan3A_25 step %scan3A_26  : i32 {
      %mul3A_29 = arith.constant 128 : i32
      %mul3A_30 = arith.muli %scan3A_28, %mul3A_29 : i32
      %add3A_31 = arith.addi %mul3A_8, %mul3A_30 : i32
      "tpu.region"() ({
        %run_scoped3A = tpu.sem_alloc : memref<!tpu.dma_semaphore, #tpu.memory_space<semaphore_mem>>
        %dma_start3A = arith.constant 0 : i32
        %dma_start3A_32 = tpu.memref_slice %arg5[%arg0, %add3A_31, %dma_start3A] : memref<2x10240x128xf32, #tpu.memory_space<hbm>> -> memref<1x128x128xf32, #tpu.memory_space<hbm>>
        %dma_start3A_33 = tpu.memref_squeeze %dma_start3A_32 : memref<1x128x128xf32, #tpu.memory_space<hbm>> -> memref<128x128xf32, #tpu.memory_space<hbm>>
        %dma_start3A_34 = arith.constant 0 : i32
        %dma_start3A_35 = tpu.memref_slice %arg10[%add3A_31, %dma_start3A_34] : memref<10240x128xf32, #tpu.memory_space<vmem_shared>> -> memref<128x128xf32, #tpu.memory_space<vmem_shared>>
        tpu.enqueue_dma source(%dma_start3A_35 : memref<128x128xf32, #tpu.memory_space<vmem_shared>>) target(%dma_start3A_33 : memref<128x128xf32, #tpu.memory_space<hbm>>) target_semaphore(%run_scoped3A : memref<!tpu.dma_semaphore, #tpu.memory_space<semaphore_mem>>)
        %dma_wait3A = arith.constant 0 : i32
        %dma_wait3A_36 = tpu.memref_slice %arg5[%arg0, %add3A_31, %dma_wait3A] : memref<2x10240x128xf32, #tpu.memory_space<hbm>> -> memref<1x128x128xf32, #tpu.memory_space<hbm>>
        %dma_wait3A_37 = tpu.memref_squeeze %dma_wait3A_36 : memref<1x128x128xf32, #tpu.memory_space<hbm>> -> memref<128x128xf32, #tpu.memory_space<hbm>>
        %dma_wait3A_38 = arith.constant 0 : i32
        %dma_wait3A_39 = tpu.memref_slice %arg10[%add3A_31, %dma_wait3A_38] : memref<10240x128xf32, #tpu.memory_space<vmem_shared>> -> memref<128x128xf32, #tpu.memory_space<vmem_shared>>
        tpu.wait_dma2 semaphore(%run_scoped3A : memref<!tpu.dma_semaphore, #tpu.memory_space<semaphore_mem>>) src(%dma_wait3A_39 : memref<128x128xf32, #tpu.memory_space<vmem_shared>>) dst(%dma_wait3A_37 : memref<128x128xf32, #tpu.memory_space<hbm>>)
        tpu.yield
      }) : () -> ()
    }
    %scan3A_27 = arith.constant 5 : i32
    return
  }
}

</mosaic_0001>

<sc_bundles>
// kernel: _segsum.3.cloned.1.call-start
scs
__scs_entry_jumppad:
0x0: {  	(pc) =	sbr.rel $0x88, $3  }
0x1: {  	(tag) =	ssettag $0x0;
	lr =	simm.s32 $0x1  }
0x2: {  	[smem:$0x3F9E] =	sst lr;
	_ =	strace $0xD0000000  }
0x3: {  	_ = 	snop  }
0x4: {  	_ = 	snop  }
0x5: {  	_ = 	snop  }
0x6: {  	_ = 	snop  }
0x7: {  	_ = 	snop  }
__scs_overlays_trampoline_lowered:
0x8: {  	[smem:$0x3FAD] =	sst s0  }
0x9: {  	[smem:$0x3FAE] =	sst s1  }
0xa: {  	[smem:$0x3FAF] =	sst s2  }
0xb: {  	[smem:$0x3FB0] =	sst s3  }
0xc: {  	[smem:$0x3FB1] =	sst s4  }
0xd: {  	[smem:$0x3FB2] =	sst s5  }
0xe: {  	[smem:$0x3FB3] =	sst s6  }
0xf: {  	[smem:$0x3FB4] =	sst s7  }
0x10: {  	[smem:$0x3FB5] =	sst s8  }
0x11: {  	[smem:$0x3FB6] =	sst s9;
	s0 =	simm.s32 @!p0 $0x0  }
0x12: {  	s1 =	sld [smem:$0x3F9C];
	s0 =	simm.s32 @p0 $0x1  }
0x13: {  	[smem:$0x3FB7] =	sst s0;
	s0 =	simm.s32 @!p1 $0x0  }
0x14: {  	s2 =	sld [smem:$0x3F9B];
	s0 =	simm.s32 @p1 $0x1  }
0x15: {  	[smem:$0x3FB8] =	sst s0;
	s0 =	simm.s32 @!p2 $0x0  }
0x16: {  	s3 =	sld [smem:$0x3FDB];
	s0 =	simm.s32 @p2 $0x1  }
0x17: {  	s4 =	simm.s32 $0x1BF5;
	[smem:$0x3FBA] =	sst s0  }
0x18: {  	s0 =	sld [smem:$0x3F9D];
	_ =	swait.ge [sflag:s4], $0x0  }
0x19: {  	s7 =	sld [smem:$0x3F9E]  }
0x1a: {  	s8 =	sadd.s32 $0xFFFFE003, lr  }
0x1b: {  	s9 =	sadd.s32 $0xFFFFFEF7, lr;
	s5 =	simm.s32 $0xFFFFFFFF;
	p2 =	slt.u32 s8, $0xFFFFF086  }
0x1c: {  	p1 =	slt.u32 s9, $0xF7A;
	s5 =	simm.s32 @!p2 $0x0  }
0x1d: {  	s5 =	simm.s32 @p1 $0x1;
	p0 =	seq.s32 s7, s2  }
0x1e: {  	s7 =	smul.u32 @!p0 $0xF7A, s2;
	p2 =	seq.s32 @!p0 s5, $0x0  }
0x1f: {  	s9 =	smul.u32 $0xF7A, s1;
	s8 =	simm.s32 @!p0 $0x1BF5;
	p2 =	por !p2, p0  }
0x20: {  	[sflag:s8] =	ssyncset.s32 @!p0 $0xFFFFF086;
	s6 =	sadd.s32 @!p0 s3, s7;
	s7 =	simm.s32 @!p0 $0x108  }
0x21: {  	s3 =	sadd.s32 s3, s9;
	s6 =	sadd.s32 @!p0 $0x88, s6;
	s7 =	simm.s32 @p2 $0x1082  }
0x22: {  	[simem:s7], [sflag:s8] =	dma.local @!p0 [hbm:s6], $0xF7A  }
0x23: {  	s9 =	sor.u32 $0xD0000000, s2;
	s6 =	simm.s32 $0x108;
	_ =	swait.ge @!p0 [sflag:s8], $0x0  }
0x24: {  	s3 =	sadd.s32 $0x88, s3;
	s6 =	simm.s32 @!p1 $0x1082;
	[sflag:s4] =	ssyncset.s32 $0xFFFFF086  }
0x25: {  	[simem:s6], [sflag:s4] =	dma.local [hbm:s3], $0xF7A  }
0x26: {  	[smem:$0x3F9E] =	sst s1;
	(tag) =	ssettag s2;
	_ =	strace s9  }
0x27: {  	s1 =	sld [smem:$0x3FAE]  }
0x28: {  	s2 =	sld [smem:$0x3FAF]  }
0x29: {  	s4 =	sld [smem:$0x3FB1]  }
0x2a: {  	p0 =	seq.s32 s5, $0x0;
	s5 =	sld [smem:$0x3FB2]  }
0x2b: {  	s6 =	sld [smem:$0x3FB3]  }
0x2c: {  	s7 =	sld [smem:$0x3FB4]  }
0x2d: {  	s3 =	simm.s32 $0x108;
	s8 =	sld [smem:$0x3FB5]  }
0x2e: {  	s3 =	simm.s32 @!p0 $0x1082;
	s9 =	sld [smem:$0x3FB6]  }
0x2f: {  	lr =	sadd.s32 s0, s3;
	s0 =	sld [smem:$0x3FAD]  }
0x30: {  	s3 =	sld [smem:$0x3FB0]  }
0x31: {  	[smem:$0x3FB9] =	sst s10  }
0x32: {  	s10 =	sld [smem:$0x3FB7];
	_ =	sdelay $0x3  }
0x33: {  	p0 =	seq.s32 s10, $0x1;
	s10 =	sld [smem:$0x3FB9];
	_ =	sdelay $0x3  }
0x34: {  	[smem:$0x3FB9] =	sst s10  }
0x35: {  	s10 =	sld [smem:$0x3FB8];
	_ =	sdelay $0x3  }
0x36: {  	p1 =	seq.s32 s10, $0x1;
	s10 =	sld [smem:$0x3FB9];
	_ =	sdelay $0x3  }
0x37: {  	[smem:$0x3FB9] =	sst s10  }
0x38: {  	s10 =	sld [smem:$0x3FBA]  }
0x39: {  	_ = 	snop;
	(pc) =	sbr.ind lr, $3  }
0x3a: {  	_ = 	snop  }
0x3b: {  	_ = 	snop  }
0x3c: {  	p2 =	seq.s32 s10, $0x1;
	s10 =	sld [smem:$0x3FB9]  }
0x3d: {  	_ =	shalt  }
0x3e: {  	_ =	shalt  }
0x3f: {  	_ =	shalt  }
0x40: {  	_ =	shalt  }
0x41: {  	_ =	shalt  }
0x42: {  	_ =	shalt  }
0x43: {  	_ =	shalt  }
0x44: {  	_ =	shalt  }
0x45: {  	_ =	shalt  }
0x46: {  	_ =	shalt  }
0x47: {  	_ =	shalt  }
0x48: {  	_ =	shalt  }
0x49: {  	_ =	shalt  }
0x4a: {  	_ =	shalt  }
0x4b: {  	_ =	shalt  }
0x4c: {  	_ =	shalt  }
0x4d: {  	_ =	shalt  }
0x4e: {  	_ =	shalt  }
0x4f: {  	_ =	shalt  }
0x50: {  	_ =	shalt  }
0x51: {  	_ =	shalt  }
0x52: {  	_ =	shalt  }
0x53: {  	_ =	shalt  }
0x54: {  	_ =	shalt  }
0x55: {  	_ =	shalt  }
0x56: {  	_ =	shalt  }
0x57: {  	_ =	shalt  }
0x58: {  	_ =	shalt  }
0x59: {  	_ =	shalt  }
0x5a: {  	_ =	shalt  }
0x5b: {  	_ =	shalt  }
0x5c: {  	_ =	shalt  }
0x5d: {  	_ =	shalt  }
0x5e: {  	_ =	shalt  }
0x5f: {  	_ =	shalt  }
0x60: {  	_ =	shalt  }
0x61: {  	_ =	shalt  }
0x62: {  	_ =	shalt  }
0x63: {  	_ =	shalt  }
0x64: {  	_ =	shalt  }
0x65: {  	_ =	shalt  }
0x66: {  	_ =	shalt  }
0x67: {  	_ =	shalt  }
0x68: {  	_ =	shalt  }
0x69: {  	_ =	shalt  }
0x6a: {  	_ =	shalt  }
0x6b: {  	_ =	shalt  }
0x6c: {  	_ =	shalt  }
0x6d: {  	_ =	shalt  }
0x6e: {  	_ =	shalt  }
0x6f: {  	_ =	shalt  }
0x70: {  	_ =	shalt  }
0x71: {  	_ =	shalt  }
0x72: {  	_ =	shalt  }
0x73: {  	_ =	shalt  }
0x74: {  	_ =	shalt  }
0x75: {  	_ =	shalt  }
0x76: {  	_ =	shalt  }
0x77: {  	_ =	shalt  }
0x78: {  	_ =	shalt  }
0x79: {  	_ =	shalt  }
0x7a: {  	_ =	shalt  }
0x7b: {  	_ =	shalt  }
0x7c: {  	_ =	shalt  }
0x7d: {  	_ =	shalt  }
0x7e: {  	_ =	shalt  }
0x7f: {  	_ =	shalt  }
0x80: {  	_ =	shalt  }
0x81: {  	_ =	shalt  }
0x82: {  	_ =	shalt  }
0x83: {  	_ =	shalt  }
0x84: {  	_ =	shalt  }
0x85: {  	_ =	shalt  }
0x86: {  	_ =	shalt  }
0x87: {  	_ =	shalt  }
.Lfunc_end0:
.L_simem_size_0:
called_computation_lowered:
.L_overlay_start_0:
0x88: {  	s2 =	sld [smem:$0x3FD9]  }
0x89: {  	s3 =	sld [smem:$0x3FFE];
	_ =	sdelay $0x1  }
0x8a: {  	s1 =	srdreg.scid  }
0x8b: {  	s0 =	sand.u32 $0x1, s1  }
0x8c: {  	s18 =	sshll.u32 s0, $0xA;
	s2 =	sadd.s32 s3, s2  }
0x8d: {  	s2 =	sadd.s32 s2, s18  }
0x8e: {  	[smem:$0x3FC5] =	sst s2  }
0x8f: {  	_ = 	snop  }
0x90: {  	s2 =	sld [smem:$0x3FC9]  }
0x91: {  	s19 =	sld [smem:$0x3FC8]  }
0x92: {  	s4 =	sld [smem:$0x3FC7]  }
0x93: {  	s5 =	sld [smem:$0x3FD0];
	(tm) =	ssettm $0x1  }
0x94: {  	s6 =	sld [smem:$0x3FFB];
	_ =	sdelay $0x3  }
0x95: {  	_ =	strace s6  }
0x96: {  	s6 =	sld [smem:$0x3FFC];
	_ =	sdelay $0x3  }
0x97: {  	_ =	strace s6  }
0x98: {  	s6 =	sld [smem:$0x3FFD];
	_ =	sdelay $0x3  }
0x99: {  	_ =	strace s6  }
0x9a: {  	_ =	strace $0x8FFFFFFF  }
0x9b: {  	s20 =	sld [smem:$0x3FDB];
	_ =	sdelay $0x1  }
0x9c: {  	s7 =	simm.s32 $_scs_section_size  }
0x9d: {  	s8 =	simm.s32 $_size__tile_overlayer_lowered;
	s9 =	simm.s32 $_tile_overlayer_lowered  }
0x9e: {  	s23 =	simm.s32 $0x1BFF;
	s22 =	sshll.u32 s9, $0x1;
	s6 =	sadd.s32 s7, s20  }
0x9f: {  	s10 =	simm.s32 $0x0;
	s21 =	sshll.u32 s8, $0x1;
	s8 =	sadd.s32 s22, s6  }
0xa0: {  	[timem:s10], [sflag:s23] =	dma.local [hbm:s8], s21  }
0xa1: {  	_ =	swait.ge [sflag:s23], s21  }
0xa2: {  	s7 =	ssub.s32 $0x0, s21;
	[sflag:s23] =	ssyncset.done $0x0  }
0xa3: {  	[sflag:s23] =	ssyncadd.s32 s7;
	_ =	sdelay $0x1  }
0xa4: {  	s24 =	simm.s32 $0x1B8B  }
0xa5: {  	_ =	swait.ge [sflag:s24], $0x1  }
0xa6: {  	[sflag:s24] =	ssyncset.done $0x0  }
0xa7: {  	s25 =	simm.s32 $0x1B8E;
	[sflag:s24] =	ssyncadd.s32 $0xFFFFFFFF  }
0xa8: {  	s26 =	simm.s32 $execute0_lowered;
	[smem:$0x3FD2] =	sst s25  }
0xa9: {  	s7 =	sshll.u32 s26, $0x1;
	_ =	strace $0x80000046;
	[dreg:$0x1] =	wrdreg $0xFFFFFFFF  }
0xaa: {  	s28 =	simm.s32 $_size_execute0_lowered;
	s6 =	sadd.s32 s6, s7;
	[dreg:$0x0] =	wrdreg $0x0  }
0xab: {  	s7 =	sshll.u32 s28, $0x1;
	[dreg:$0x2] =	wrdreg s6  }
0xac: {  	[dreg:$0x3] =	wrdreg s7  }
0xad: {  	[dreg:$0x4] =	wrdreg $0xC0  }
0xae: {  	_ =	task [dreg:s10], $0x5FFFF  }
0xaf: {  	[dreg:$0x1] =	wrdreg $0xFFFFFFFF  }
0xb0: {  	[dreg:$0x0] =	wrdreg $0x60  }
0xb1: {  	[dreg:$0x2] =	wrdreg s2  }
0xb2: {  	[dreg:$0x3] =	wrdreg s19  }
0xb3: {  	[dreg:$0x4] =	wrdreg s4  }
0xb4: {  	[dreg:$0x5] =	wrdreg s5  }
0xb5: {  	[dreg:$0x6] =	wrdreg $0xA8000  }
0xb6: {  	[dreg:$0x7] =	wrdreg $0x9  }
0xb7: {  	_ =	task.clear_ibuf [dreg:s10], $0x8FFFF;
	_ =	strace $0x90000046  }
0xb8: {  	s29 =	simm.s32 $0x9;
	_ =	strace $0x80000048  }
0xb9: {  	_ =	swait.ge [sflag:s29], $0x1  }
0xba: {  	[sflag:s29] =	ssyncadd.s32 $0xFFFFFFFF  }
0xbb: {  	_ =	strace $0x90000048  }
0xbc: {  	_ =	sfence  }
0xbd: {  	s30 =	sld [smem:$0x0];
	_ =	sdelay $0x2  }
0xbe: {  	s31 =	sshll.u32 s1, $0xD;
	s1 =	sshrl.u32 s1, $0x2  }
0xbf: {  	s3 =	sand.u32 $0x4000, s31;
	s1 =	sadd.s32 s1, s30  }
0xc0: {  	s0 =	sor.u32 s3, s0;
	s1 =	sshll.u32 s1, $0x11  }
0xc1: {  	s0 =	sor.u32 s1, s0  }
0xc2: {  	s0 =	sadd.s32 $0x8F2B, s0  }
0xc3: {  	[sflag:s0] =	ssyncadd.remote.s32 $0x1  }
0xc4: {  	_ =	sfence.sel $0xFFFF  }
0xc5: {  	[dreg:$0x0] =	wrdreg $0xFFFFFFFF;
	(pc) =	sbr.abs _section_cstart, $3  }
0xc6: {  	[dreg:$0x1] =	wrdreg $0xFFFFFFFF  }
0xc7: {  	_ =	task.clear_ibuf [dreg:s10], $0x2FFFF;
	_ =	strace $0x9FFFFFFF  }
0xc8: {  	(tm) =	ssettm $0x7FFFFFFF  }
0xc9: {  	_ =	shalt  }
tec
execute0_lowered:
.L_overlay_start_1:
0x0: {  	(tag) =	ssettag $0x1  }
0x1: {  	s0 =	rddreg [dreg:$0x0]  }
0x2: {  	s1 =	rddreg [dreg:$0x1]  }
0x3: {  	s2 =	rddreg [dreg:$0x2]  }
0x4: {  	s6 =	rddreg [dreg:$0x3]  }
0x5: {  	s3 =	rddreg [dreg:$0x4];
	s4 =	srdreg.scid  }
0x6: {  	s10 =	stileid.u32;
	s28 =	simm.s32 $0x80;
	s29 =	simm.s32 $0x1  }
0x7: {  	s30 =	simm.s32 $0x6800;
	s31 =	simm.s32 $0x1380;
	s7 =	smul.u32 $0x50000, s10  }
0x8: {  	s5 =	sand.u32 $0x1, s4;
	s4 =	simm.s32 $0x0;
	s15 =	smul.u32 $0x14000, s10  }
0x9: {  	s8 =	ssub.s32 $0x2, s5;
	s14 =	smul.u32 $0x140000, s5;
	[smem:$0x7FF] =	sst s4  }
0xa: {  	s5 =	sshll.u32 s5, $0x4;
	s9 =	sshrl.u32 s8, $0x1;
	_ =	strace $0x80000047  }
0xb: {  	s18 =	sor.u32 s10, s5;
	s19 =	sshrl.u32 s7, $0x2;
	s22 =	sadd.s32 $0x4000, s15  }
0xc: {  	s17 =	sadd.s32 $0x8000, s15;
	s8 =	ssub.s32 s8, s9;
	s20 =	sadd.s32 s14, s15  }
0xd: {  	s5 =	sadd.s32 s19, s3;
	s16 =	smul.u32 $0x2800, s18;
	s11 =	sadd.s32 s14, s22  }
0xe: {  	s13 =	sadd.s32 s14, s17;
	s18 =	sadd.s32 $0xC000, s15;
	s7 =	sshrl.u32 s20, $0x3  }
0xf: {  	s21 =	smax.u32 s8, $0x1;
	s23 =	sadd.s32 $0x4000, s5;
	s9 =	sadd.s32 $0x8000, s5  }
0x10: {  	s10 =	sadd.s32 $0xC000, s5;
	s12 =	sshrl.u32 s11, $0x3;
	s11 =	sadd.s32 $0x10000, s5  }
0x11: {  	s13 =	sshrl.u32 s13, $0x3;
	s19 =	sadd.s32 s14, s18;
	[dreg:$0x7] =	wrdreg s21  }
0x12: {  	s20 =	sadd.s32 $0x10000, s15;
	s7 =	sadd.s32 s6, s7;
	[dreg:$0x8] =	wrdreg s23  }
0x13: {  	s12 =	sadd.s32 s6, s12;
	s13 =	sadd.s32 s6, s13;
	s23 =	sadd.s32 s17, s3  }
0x14: {  	s24 =	sshrl.u32 s19, $0x3;
	s25 =	sadd.s32 s14, s20;
	s8 =	sadd.s32 s20, s3  }
0x15: {  	s20 =	simm.s32 $0x2800;
	s21 =	simm.s32 $0x2;
	[dreg:$0x6] =	wrdreg s7  }
0x16: {  	s7 =	sadd.s32 s22, s3;
	s14 =	sadd.s32 s6, s24;
	s24 =	sadd.s32 s18, s3  }
0x17: {  	s26 =	sshrl.u32 s25, $0x3;
	s25 =	sshrl.u32 s16, $0x3;
	s23 =	sshrl.u32 s23, $0x3  }
0x18: {  	s15 =	sadd.s32 s6, s26;
	s16 =	sadd.s32 s1, s25;
	s17 =	sadd.s32 s2, s25  }
0x19: {  	s26 =	sadd.s32 $0x280, s25;
	s22 =	sshrl.u32 s7, $0x3;
	s24 =	sshrl.u32 s24, $0x3  }
0x1a: {  	s25 =	sshrl.u32 s8, $0x3;
	s18 =	sadd.s32 s1, s26;
	s19 =	sadd.s32 s2, s26  }
0x1b: {  	v0 =	vimm.f32 $0.0e+00;
	s26 =	simm.s32 $0x1400;
	s1 =	simm.s32 $0x2700;
	s2 =	simm.s32 $0x2780  }
.LBB2_1:
0x1c: {  	s6 =	simm.s32 $0x0;
	s7 =	simm.s32 $0x200  }
.LBB2_2:
0x1d: {  	p0 =	sne.s32 s7, $0xFE00;
	[tilespmem:s6+$0x2870] =	vst v0  }
0x1e: {  	[tilespmem:s6+$0x2800] =	vst v0  }
0x1f: {  	[tilespmem:s6+$0x2810] =	vst v0  }
.Ltmp0:
0x20: {  	[tilespmem:s6+$0x2820] =	vst v0;
	(pc) =	sbr.rel @p0 .LBB2_2-.Ltmp0, $4  }
0x21: {  	[tilespmem:s6+$0x2830] =	vst v0  }
0x22: {  	[tilespmem:s6+$0x2840] =	vst v0  }
0x23: {  	[tilespmem:s6+$0x2850] =	vst v0  }
0x24: {  	[tilespmem:s6+$0x2860] =	vst v0;
	s6 =	sshra.s32 s7, $0x2;
	s7 =	sadd.s32 $0x200, s7  }
0x25: {  	[tilespmem:s6+$0x2870] =	vst v0  }
0x26: {  	[tilespmem:s6+$0x2800] =	vst v0  }
0x27: {  	[tilespmem:s6+$0x2810] =	vst v0  }
0x28: {  	[tilespmem:s6+$0x2820] =	vst v0  }
0x29: {  	[tilespmem:s6+$0x2830] =	vst v0  }
0x2a: {  	[tilespmem:s6+$0x2840] =	vst v0  }
0x2b: {  	[tilespmem:s6+$0x2850] =	vst v0  }
0x2c: {  	[tilespmem:s6+$0x2860] =	vst v0  }
0x2d: {  	[spmem:s5] =	stream.linear.scatter [tilespmem:s20], [sflag:$0x2], $0x4000, $0x38;
	[tilespmem:$0x1E800] =	vst v63  }
0x2e: {  	_ =	swait.ge [sflag:s21], $0x4000  }
0x2f: {  	[sflag:s21] =	ssyncset.done $0x0  }
0x30: {  	s7 =	rddreg [dreg:$0x8];
	[sflag:s21] =	ssyncadd.s32 $0xFFFFC000  }
0x31: {  	[spmem:s7] =	stream.linear.scatter [tilespmem:s20], [sflag:$0x2], $0x4000, $0x38;
	[tilespmem:$0x1E800] =	vst v63  }
0x32: {  	_ =	swait.ge [sflag:s21], $0x4000  }
0x33: {  	[sflag:s21] =	ssyncset.done $0x0  }
0x34: {  	[sflag:s21] =	ssyncadd.s32 $0xFFFFC000  }
0x35: {  	[spmem:s9] =	stream.linear.scatter [tilespmem:s20], [sflag:$0x2], $0x4000, $0x38;
	[tilespmem:$0x1E800] =	vst v63  }
0x36: {  	_ =	swait.ge [sflag:s21], $0x4000  }
0x37: {  	[sflag:s21] =	ssyncset.done $0x0  }
0x38: {  	[sflag:s21] =	ssyncadd.s32 $0xFFFFC000  }
0x39: {  	[spmem:s10] =	stream.linear.scatter [tilespmem:s20], [sflag:$0x2], $0x4000, $0x38;
	[tilespmem:$0x1E800] =	vst v63  }
0x3a: {  	_ =	swait.ge [sflag:s21], $0x4000  }
0x3b: {  	[sflag:s21] =	ssyncset.done $0x0  }
0x3c: {  	[sflag:s21] =	ssyncadd.s32 $0xFFFFC000  }
0x3d: {  	[spmem:s11] =	stream.linear.scatter [tilespmem:s20], [sflag:$0x2], $0x4000, $0x38;
	[tilespmem:$0x1E800] =	vst v63  }
0x3e: {  	_ =	swait.ge [sflag:s21], $0x4000  }
0x3f: {  	[sflag:s21] =	ssyncset.done $0x0  }
0x40: {  	[sflag:s21] =	ssyncadd.s32 $0xFFFFC000  }
0x41: {  	s8 =	simm.s32 $0x0;
	[bflag:$0x0] =	sbarrier.arrive $0xFFFF  }
0x42: {  	[tilespmem:s8], [sflag:$0x2] =	stream.linear.gather [hbm4b:s16+s8], $0x1400, $0x38;
	[tilespmem:$0x1E800] =	vst v63  }
0x43: {  	_ =	swait.ge [sflag:s21], $0x1400  }
0x44: {  	[sflag:s21] =	ssyncset.done $0x0  }
0x45: {  	[sflag:s21] =	ssyncadd.s32 $0xFFFFEC00  }
0x46: {  	[tilespmem:s26], [sflag:$0x2] =	stream.linear.gather [hbm4b:s17+s8], $0x1400, $0x38;
	[tilespmem:$0x1E800] =	vst v63  }
0x47: {  	_ =	swait.ge [sflag:s21], $0x1400  }
0x48: {  	[sflag:s21] =	ssyncset.done $0x0  }
0x49: {  	[sflag:s21] =	ssyncadd.s32 $0xFFFFEC00  }
0x4a: {  	[tilespmem:s20], [sflag:$0x1] =	stream.indirect.gather [hbm4b:s0+s28], $0x80, s8, s28, $0xb8;
	[tilespmem:$0x1E800] =	vst v63  }
0x4b: {  	_ =	swait.ge [sflag:s29], $0x4000  }
0x4c: {  	[sflag:s29] =	ssyncset.done $0x0  }
0x4d: {  	s7 =	simm.s32 $0x80;
	[sflag:s29] =	ssyncadd.s32 $0xFFFFC000  }
0x4e: {  	[tilespmem:s30], [sflag:$0x1] =	stream.indirect.gather [hbm4b:s0+s28], $0x80, s7, s28, $0xb8;
	[tilespmem:$0x1E800] =	vst v63  }
0x4f: {  	s8 =	simm.s32 $0x1400  }
0x50: {  	[spmem:s3] =	stream.indirect.scatter.add.f32 [tilespmem:s20], [sflag:$0x2], $0x80, s8, s28, $0xb8;
	[tilespmem:$0x1E800] =	vst v63  }
0x51: {  	_ =	swait.ge [sflag:s21], $0x4000  }
0x52: {  	[sflag:s21] =	ssyncset.done $0x0  }
0x53: {  	[sflag:s21] =	ssyncadd.s32 $0xFFFFC000  }
0x54: {  	_ =	swait.ge [sflag:s29], $0x4000  }
0x55: {  	[sflag:s29] =	ssyncset.done $0x0  }
0x56: {  	s7 =	simm.s32 $0x100;
	[sflag:s29] =	ssyncadd.s32 $0xFFFFC000  }
0x57: {  	[tilespmem:s20], [sflag:$0x1] =	stream.indirect.gather [hbm4b:s0+s28], $0x80, s7, s28, $0xb8;
	[tilespmem:$0x1E800] =	vst v63  }
0x58: {  	s8 =	simm.s32 $0x1480  }
0x59: {  	[spmem:s3] =	stream.indirect.scatter.add.f32 [tilespmem:s30], [sflag:$0x2], $0x80, s8, s28, $0xb8;
	[tilespmem:$0x1E800] =	vst v63  }
0x5a: {  	_ =	swait.ge [sflag:s21], $0x4000  }
0x5b: {  	s6 =	simm.s32 $0x400;
	[sflag:s21] =	ssyncset.done $0x0  }
.LBB2_4:
0x5c: {  	p0 =	sne.s32 s6, $0x4800  }
0x5d: {  	[sflag:s21] =	ssyncadd.s32 $0xFFFFC000;
	s7 =	smov.u32 s6;
	s6 =	sadd.s32 $0x400, s6  }
0x5e: {  	_ = 	snop  }
0x5f: {  	_ =	swait.ge [sflag:s29], $0x4000  }
0x60: {  	s7 =	sshra.s32 s7, $0x2;
	[sflag:s29] =	ssyncset.done $0x0  }
0x61: {  	s8 =	sadd.s32 $0x80, s7;
	[sflag:s29] =	ssyncadd.s32 $0xFFFFC000  }
0x62: {  	[tilespmem:s30], [sflag:$0x1] =	stream.indirect.gather [hbm4b:s0+s28], $0x80, s8, s28, $0xb8;
	[tilespmem:$0x1E800] =	vst v63  }
0x63: {  	s8 =	sadd.s32 $0x1400, s7  }
0x64: {  	[spmem:s3] =	stream.indirect.scatter.add.f32 [tilespmem:s20], [sflag:$0x2], $0x80, s8, s28, $0xb8;
	[tilespmem:$0x1E800] =	vst v63  }
0x65: {  	_ =	swait.ge [sflag:s21], $0x4000  }
0x66: {  	[sflag:s21] =	ssyncset.done $0x0  }
0x67: {  	[sflag:s21] =	ssyncadd.s32 $0xFFFFC000  }
0x68: {  	_ =	swait.ge [sflag:s29], $0x4000  }
0x69: {  	[sflag:s29] =	ssyncset.done $0x0  }
0x6a: {  	s8 =	sadd.s32 $0x100, s7;
	[sflag:s29] =	ssyncadd.s32 $0xFFFFC000  }
0x6b: {  	[tilespmem:s20], [sflag:$0x1] =	stream.indirect.gather [hbm4b:s0+s28], $0x80, s8, s28, $0xb8;
	[tilespmem:$0x1E800] =	vst v63  }
.Ltmp1:
0x6c: {  	_ = 	snop;
	(pc) =	sbr.rel @p0 .LBB2_4-.Ltmp1, $4  }
0x6d: {  	s7 =	sadd.s32 $0x1480, s7  }
0x6e: {  	[spmem:s3] =	stream.indirect.scatter.add.f32 [tilespmem:s30], [sflag:$0x2], $0x80, s7, s28, $0xb8;
	[tilespmem:$0x1E800] =	vst v63  }
0x6f: {  	_ =	swait.ge [sflag:s21], $0x4000  }
0x70: {  	[sflag:s21] =	ssyncset.done $0x0  }
0x71: {  	[sflag:s21] =	ssyncadd.s32 $0xFFFFC000  }
0x72: {  	_ =	swait.ge [sflag:s29], $0x4000  }
0x73: {  	[sflag:s29] =	ssyncset.done $0x0  }
0x74: {  	[sflag:s29] =	ssyncadd.s32 $0xFFFFC000  }
0x75: {  	[tilespmem:s30], [sflag:$0x1] =	stream.indirect.gather [hbm4b:s0+s28], $0x80, s31, s28, $0xb8;
	[tilespmem:$0x1E800] =	vst v63  }
0x76: {  	_ = 	snop  }
0x77: {  	[spmem:s3] =	stream.indirect.scatter.add.f32 [tilespmem:s20], [sflag:$0x2], $0x80, s1, s28, $0xb8;
	[tilespmem:$0x1E800] =	vst v63  }
0x78: {  	_ =	swait.ge [sflag:s21], $0x4000  }
0x79: {  	[sflag:s21] =	ssyncset.done $0x0  }
0x7a: {  	[sflag:s21] =	ssyncadd.s32 $0xFFFFC000  }
0x7b: {  	_ =	swait.ge [sflag:s29], $0x4000  }
0x7c: {  	[sflag:s29] =	ssyncset.done $0x0  }
0x7d: {  	[sflag:s29] =	ssyncadd.s32 $0xFFFFC000  }
0x7e: {  	[spmem:s3] =	stream.indirect.scatter.add.f32 [tilespmem:s30], [sflag:$0x2], $0x80, s2, s28, $0xb8;
	[tilespmem:$0x1E800] =	vst v63  }
0x7f: {  	_ =	swait.ge [sflag:s21], $0x4000  }
0x80: {  	[sflag:s21] =	ssyncset.done $0x0  }
0x81: {  	s6 =	simm.s32 $0x0;
	[sflag:s21] =	ssyncadd.s32 $0xFFFFC000  }
0x82: {  	[tilespmem:s6], [sflag:$0x2] =	stream.linear.gather [hbm4b:s18+s6], $0x1400, $0x38;
	[tilespmem:$0x1E800] =	vst v63  }
0x83: {  	_ =	swait.ge [sflag:s21], $0x1400  }
0x84: {  	[sflag:s21] =	ssyncset.done $0x0  }
0x85: {  	[sflag:s21] =	ssyncadd.s32 $0xFFFFEC00  }
0x86: {  	[tilespmem:s26], [sflag:$0x2] =	stream.linear.gather [hbm4b:s19+s6], $0x1400, $0x38;
	[tilespmem:$0x1E800] =	vst v63  }
0x87: {  	_ =	swait.ge [sflag:s21], $0x1400  }
0x88: {  	[sflag:s21] =	ssyncset.done $0x0  }
0x89: {  	[sflag:s21] =	ssyncadd.s32 $0xFFFFEC00  }
0x8a: {  	[tilespmem:s20], [sflag:$0x1] =	stream.indirect.gather [hbm4b:s0+s28], $0x80, s6, s28, $0xb8;
	[tilespmem:$0x1E800] =	vst v63  }
0x8b: {  	_ =	swait.ge [sflag:s29], $0x4000  }
0x8c: {  	[sflag:s29] =	ssyncset.done $0x0  }
0x8d: {  	s7 =	simm.s32 $0x80;
	[sflag:s29] =	ssyncadd.s32 $0xFFFFC000  }
0x8e: {  	[tilespmem:s30], [sflag:$0x1] =	stream.indirect.gather [hbm4b:s0+s28], $0x80, s7, s28, $0xb8;
	[tilespmem:$0x1E800] =	vst v63  }
0x8f: {  	s8 =	simm.s32 $0x1400  }
0x90: {  	[spmem:s3] =	stream.indirect.scatter.add.f32 [tilespmem:s20], [sflag:$0x2], $0x80, s8, s28, $0xb8;
	[tilespmem:$0x1E800] =	vst v63  }
0x91: {  	_ =	swait.ge [sflag:s21], $0x4000  }
0x92: {  	[sflag:s21] =	ssyncset.done $0x0  }
0x93: {  	[sflag:s21] =	ssyncadd.s32 $0xFFFFC000  }
0x94: {  	_ =	swait.ge [sflag:s29], $0x4000  }
0x95: {  	[sflag:s29] =	ssyncset.done $0x0  }
0x96: {  	s7 =	simm.s32 $0x100;
	[sflag:s29] =	ssyncadd.s32 $0xFFFFC000  }
0x97: {  	[tilespmem:s20], [sflag:$0x1] =	stream.indirect.gather [hbm4b:s0+s28], $0x80, s7, s28, $0xb8;
	[tilespmem:$0x1E800] =	vst v63  }
0x98: {  	s8 =	simm.s32 $0x1480  }
0x99: {  	[spmem:s3] =	stream.indirect.scatter.add.f32 [tilespmem:s30], [sflag:$0x2], $0x80, s8, s28, $0xb8;
	[tilespmem:$0x1E800] =	vst v63  }
0x9a: {  	_ =	swait.ge [sflag:s21], $0x4000  }
0x9b: {  	s6 =	simm.s32 $0x400;
	[sflag:s21] =	ssyncset.done $0x0  }
.LBB2_6:
0x9c: {  	p0 =	sne.s32 s6, $0x4800  }
0x9d: {  	[sflag:s21] =	ssyncadd.s32 $0xFFFFC000;
	s7 =	smov.u32 s6;
	s6 =	sadd.s32 $0x400, s6  }
0x9e: {  	_ = 	snop  }
0x9f: {  	_ =	swait.ge [sflag:s29], $0x4000  }
0xa0: {  	s7 =	sshra.s32 s7, $0x2;
	[sflag:s29] =	ssyncset.done $0x0  }
0xa1: {  	s8 =	sadd.s32 $0x80, s7;
	[sflag:s29] =	ssyncadd.s32 $0xFFFFC000  }
0xa2: {  	[tilespmem:s30], [sflag:$0x1] =	stream.indirect.gather [hbm4b:s0+s28], $0x80, s8, s28, $0xb8;
	[tilespmem:$0x1E800] =	vst v63  }
0xa3: {  	s8 =	sadd.s32 $0x1400, s7  }
0xa4: {  	[spmem:s3] =	stream.indirect.scatter.add.f32 [tilespmem:s20], [sflag:$0x2], $0x80, s8, s28, $0xb8;
	[tilespmem:$0x1E800] =	vst v63  }
0xa5: {  	_ =	swait.ge [sflag:s21], $0x4000  }
0xa6: {  	[sflag:s21] =	ssyncset.done $0x0  }
0xa7: {  	[sflag:s21] =	ssyncadd.s32 $0xFFFFC000  }
0xa8: {  	_ =	swait.ge [sflag:s29], $0x4000  }
0xa9: {  	[sflag:s29] =	ssyncset.done $0x0  }
0xaa: {  	s8 =	sadd.s32 $0x100, s7;
	[sflag:s29] =	ssyncadd.s32 $0xFFFFC000  }
0xab: {  	[tilespmem:s20], [sflag:$0x1] =	stream.indirect.gather [hbm4b:s0+s28], $0x80, s8, s28, $0xb8;
	[tilespmem:$0x1E800] =	vst v63  }
.Ltmp2:
0xac: {  	_ = 	snop;
	(pc) =	sbr.rel @p0 .LBB2_6-.Ltmp2, $4  }
0xad: {  	s7 =	sadd.s32 $0x1480, s7  }
0xae: {  	[spmem:s3] =	stream.indirect.scatter.add.f32 [tilespmem:s30], [sflag:$0x2], $0x80, s7, s28, $0xb8;
	[tilespmem:$0x1E800] =	vst v63  }
0xaf: {  	_ =	swait.ge [sflag:s21], $0x4000  }
0xb0: {  	[sflag:s21] =	ssyncset.done $0x0  }
0xb1: {  	[sflag:s21] =	ssyncadd.s32 $0xFFFFC000  }
0xb2: {  	_ =	swait.ge [sflag:s29], $0x4000  }
0xb3: {  	[sflag:s29] =	ssyncset.done $0x0  }
0xb4: {  	[sflag:s29] =	ssyncadd.s32 $0xFFFFC000  }
0xb5: {  	[tilespmem:s30], [sflag:$0x1] =	stream.indirect.gather [hbm4b:s0+s28], $0x80, s31, s28, $0xb8;
	[tilespmem:$0x1E800] =	vst v63  }
0xb6: {  	_ = 	snop  }
0xb7: {  	[spmem:s3] =	stream.indirect.scatter.add.f32 [tilespmem:s20], [sflag:$0x2], $0x80, s1, s28, $0xb8;
	[tilespmem:$0x1E800] =	vst v63  }
0xb8: {  	_ =	swait.ge [sflag:s21], $0x4000  }
0xb9: {  	[sflag:s21] =	ssyncset.done $0x0  }
0xba: {  	[sflag:s21] =	ssyncadd.s32 $0xFFFFC000  }
0xbb: {  	_ =	swait.ge [sflag:s29], $0x4000  }
0xbc: {  	[sflag:s29] =	ssyncset.done $0x0  }
0xbd: {  	[sflag:s29] =	ssyncadd.s32 $0xFFFFC000  }
0xbe: {  	[spmem:s3] =	stream.indirect.scatter.add.f32 [tilespmem:s30], [sflag:$0x2], $0x80, s2, s28, $0xb8;
	[tilespmem:$0x1E800] =	vst v63  }
0xbf: {  	_ =	swait.ge [sflag:s21], $0x4000  }
0xc0: {  	[sflag:s21] =	ssyncset.done $0x0  }
0xc1: {  	s6 =	stileid.u32;
	[sflag:s21] =	ssyncadd.s32 $0xFFFFC000  }
0xc2: {  	s6 =	sshll.u32 s6, $0x6;
	[bflag:$0x0] =	sbarrier.arrive $0xFFFF  }
0xc3: {  	s7 =	sshrl.u32 s5, $0x3;
	s6 =	sor.u32 $0x1C02, s6;
	s8 =	rddreg [dreg:$0x6]  }
0xc4: {  	[hbm:s8], [sflag:s6] =	dma.local [spmem:s7], $0x800  }
0xc5: {  	_ =	swait.ge [sflag:s21], $0x800  }
0xc6: {  	[sflag:s21] =	ssyncset.done $0x0  }
0xc7: {  	[sflag:s21] =	ssyncadd.s32 $0xFFFFF800  }
0xc8: {  	[hbm:s12], [sflag:s6] =	dma.local [spmem:s22], $0x800  }
0xc9: {  	_ =	swait.ge [sflag:s21], $0x800  }
0xca: {  	[sflag:s21] =	ssyncset.done $0x0  }
0xcb: {  	[sflag:s21] =	ssyncadd.s32 $0xFFFFF800  }
0xcc: {  	[hbm:s13], [sflag:s6] =	dma.local [spmem:s23], $0x800  }
0xcd: {  	_ =	swait.ge [sflag:s21], $0x800  }
0xce: {  	[sflag:s21] =	ssyncset.done $0x0  }
0xcf: {  	[sflag:s21] =	ssyncadd.s32 $0xFFFFF800  }
0xd0: {  	[hbm:s14], [sflag:s6] =	dma.local [spmem:s24], $0x800  }
0xd1: {  	_ =	swait.ge [sflag:s21], $0x800  }
0xd2: {  	[sflag:s21] =	ssyncset.done $0x0  }
0xd3: {  	[sflag:s21] =	ssyncadd.s32 $0xFFFFF800  }
0xd4: {  	[hbm:s15], [sflag:s6] =	dma.local [spmem:s25], $0x800  }
0xd5: {  	_ =	swait.ge [sflag:s21], $0x800  }
0xd6: {  	s4 =	sadd.s32 $0x1, s4;
	s8 =	rddreg [dreg:$0x7]  }
0xd7: {  	p0 =	sne.s32 s4, s8  }
.Ltmp3:
0xd8: {  	_ = 	snop;
	(pc) =	sbr.rel @p0 .LBB2_1-.Ltmp3, $3  }
0xd9: {  	_ =	sdelay $0x1  }
0xda: {  	[sflag:s21] =	ssyncset.done $0x0  }
0xdb: {  	[sflag:s21] =	ssyncadd.s32 $0xFFFFF800  }
0xdc: {  	_ =	sfence.sel $0x180000  }
0xdd: {  	[bflag:$0x0] =	sbarrier.arrive $0xFFFF  }
0xde: {  	_ =	strace $0x90000047  }
0xdf: {  	s0 =	stileid.u32;
	[bflag:$0x2] =	sbarrier.arrive $0xFFFF  }
0xe0: {  	p0 =	sne.s32 s0, $0x0;
	s0 =	rddreg [dreg:$0x5]  }
0xe1: {  	s0 =	sadd.s32 @!p0 $0x100000, s0  }
0xe2: {  	[sflag:s0] =	ssyncadd.tile.s32 @!p0 $0x1;
	_ =	shalt  }
.Lfunc_end2:
_tile_overlayer_lowered:
.L_overlay_start_2:
0xe3: {  	(tag) =	ssettag $0x2  }
0xe4: {  	s0 =	rddreg [dreg:$0x0];
	s2 =	stileid.u32  }
0xe5: {  	s1 =	rddreg [dreg:$0x1];
	p0 =	sne.s32 s2, $0x0  }
0xe6: {  	s3 =	rddreg [dreg:$0x2];
	[bflag:$0x3] =	sbarrier.arrive $0xFFFF;
	s2 =	simm.s32 @!p0 $0x1C02  }
0xe7: {  	[timem:s3], [sflag:s2] =	dma.local @!p0 [hbm:s0], s1  }
0xe8: {  	s0 =	simm.s32 @!p0 $0x2  }
0xe9: {  	_ =	swait.ge @!p0 [sflag:s0], s1  }
0xea: {  	s1 =	ssub.s32 @!p0 $0x0, s1;
	[sflag:s0] =	ssyncset.done @!p0 $0x0  }
0xeb: {  	[sflag:s0] =	ssyncadd.s32 @!p0 s1  }
0xec: {  	[bflag:$0x3] =	sbarrier.arrive $0xFFFF  }
0xed: {  	_ =	shalt  }

</sc_bundles>
